<compile_context>
chip_gen: v7x
topology: tpu7x:2x2x1
jax: 0.10.2.dev20260603
libtpu: 0.0.44.dev20260713+nightly
codegen_flags: <defaults>
</compile_context>

<pallas_src>
import functools

import jax
import jax.numpy as jnp
from jax.experimental import pallas as pl
from jax.experimental.pallas import tpu as pltpu
from jax.experimental.pallas import tpu_sc as plsc

_D = 384
_COSTS = (0.05, 0.25, 0.6)
_NC, _NS = 2, 16
_NW = _NC * _NS


def _first_min_idx(d2, n_codes):
    m = jnp.min(d2, axis=1, keepdims=True)
    eq = (d2 == m).astype(jnp.float32)
    iota_s = jax.lax.broadcasted_iota(jnp.int32, (n_codes, n_codes), 0)
    w = jax.lax.bitcast_convert_type((127 - iota_s) << 23, jnp.float32)
    se = jax.lax.dot_general(eq, w, (((1,), (0,)), ((), ())),
                             preferred_element_type=jnp.float32)
    ebits = jax.lax.shift_right_logical(
        jax.lax.bitcast_convert_type(se, jnp.int32), 23)
    idx_rep = 127 - ebits
    return idx_rep, m


def _distances(x, cb, n_codes):
    cb2 = jnp.sum(cb * cb, axis=1)[None, :]
    xc = jax.lax.dot_general(x, cb, (((1,), (1,)), ((), ())),
                             preferred_element_type=jnp.float32)
    ones = jnp.ones((_D, n_codes), jnp.float32)
    x2 = jax.lax.dot_general(x * x, ones, (((1,), (0,)), ((), ())),
                             preferred_element_type=jnp.float32)
    return x2 - 2.0 * xc + cb2


def _vq_body(x_ref, cb_ref, idx_ref, loss_ref, *, n_codes):
    x = x_ref[...]
    cb = cb_ref[...]
    d2 = _distances(x, cb, n_codes)
    idx_rep, m = _first_min_idx(d2, n_codes)
    idx_ref[...] = idx_rep[:, 0]
    s = jnp.sum(m)

    @pl.when(pl.program_id(0) == 0)
    def _init():
        loss_ref[0, 0] = 0.0

    loss_ref[0, 0] += s


def _vq_body_q(x_ref, cb_ref, idx_ref, loss_ref, q_ref, *, n_codes):
    x = x_ref[...]
    cb = cb_ref[...]
    d2 = _distances(x, cb, n_codes)
    idx_rep, m = _first_min_idx(d2, n_codes)
    idx_ref[...] = idx_rep[:, 0]
    iota = jax.lax.broadcasted_iota(jnp.int32, d2.shape, 1)
    onehot = (iota == idx_rep).astype(jnp.float32)
    cb_hi = cb.astype(jnp.bfloat16).astype(jnp.float32)
    cb_lo = cb - cb_hi
    dn = (((1,), (0,)), ((), ()))
    q_hi = jax.lax.dot_general(onehot, cb_hi, dn,
                               preferred_element_type=jnp.float32)
    q_lo = jax.lax.dot_general(onehot, cb_lo, dn,
                               preferred_element_type=jnp.float32)
    q_ref[...] = q_hi + q_lo
    s = jnp.sum(m)

    @pl.when(pl.program_id(0) == 0)
    def _init():
        loss_ref[0, 0] = 0.0

    loss_ref[0, 0] += s


def _vq_level(x_flat, cb, block_rows, with_q):
    n, d = x_flat.shape
    k = cb.shape[0]
    grid = n // block_rows
    out_specs = [
        pl.BlockSpec((block_rows,), lambda i: (i,)),
        pl.BlockSpec((1, 1), lambda i: (0, 0), memory_space=pltpu.SMEM),
    ]
    out_shape = [
        jax.ShapeDtypeStruct((n,), jnp.int32),
        jax.ShapeDtypeStruct((1, 1), jnp.float32),
    ]
    if with_q:
        body = functools.partial(_vq_body_q, n_codes=k)
        out_specs.append(pl.BlockSpec((block_rows, d), lambda i: (i, 0)))
        out_shape.append(jax.ShapeDtypeStruct((n, d), jnp.float32))
    else:
        body = functools.partial(_vq_body, n_codes=k)
    outs = pl.pallas_call(
        body,
        grid=(grid,),
        in_specs=[
            pl.BlockSpec((block_rows, d), lambda i: (i, 0)),
            pl.BlockSpec((k, d), lambda i: (0, 0)),
        ],
        out_specs=out_specs,
        out_shape=out_shape,
    )(x_flat, cb)
    if with_q:
        idx, loss_sum, q = outs
        return idx, loss_sum[0, 0], q
    idx, loss_sum = outs
    return idx, loss_sum[0, 0], None


def _sc_gather(cb, idx, n_rows, chunk):
    rpw = n_rows // _NW
    nchunks = rpw // chunk
    mesh = plsc.VectorSubcoreMesh(
        core_axis_name="c", subcore_axis_name="s",
        num_cores=_NC, num_subcores=_NS)

    @functools.partial(
        pl.kernel,
        out_type=jax.ShapeDtypeStruct((n_rows, _D), jnp.float32),
        mesh=mesh,
        scratch_types=[
            pltpu.VMEM((rpw,), jnp.int32),
            pltpu.VMEM((chunk, _D), jnp.float32),
            pltpu.VMEM((chunk, _D), jnp.float32),
            pltpu.SemaphoreType.DMA,
            pltpu.SemaphoreType.DMA,
        ],
    )
    def gather_kernel(cb_hbm, idx_hbm, out_hbm, idx_v, rows_a, rows_b, gsem, osem):
        wid = jax.lax.axis_index("s") * _NC + jax.lax.axis_index("c")
        base = wid * rpw
        pltpu.sync_copy(idx_hbm.at[pl.ds(base, rpw)], idx_v)
        bufs = (rows_a, rows_b)
        g_descs = [None] * nchunks
        o_descs = [None] * nchunks
        g_descs[0] = pltpu.async_copy(
            cb_hbm.at[idx_v.at[pl.ds(0, chunk)]], bufs[0], gsem)
        for c in range(nchunks):
            if c + 1 < nchunks:
                if c >= 1:
                    o_descs[c - 1].wait()
                g_descs[c + 1] = pltpu.async_copy(
                    cb_hbm.at[idx_v.at[pl.ds((c + 1) * chunk, chunk)]],
                    bufs[(c + 1) % 2], gsem)
            g_descs[c].wait()
            o_descs[c] = pltpu.async_copy(
                bufs[c % 2], out_hbm.at[pl.ds(base + c * chunk, chunk)], osem)
        if nchunks >= 2:
            o_descs[nchunks - 2].wait()
        o_descs[nchunks - 1].wait()

    return gather_kernel(cb, idx)


def _sc_gather2(cb_a, idx_a, n_a, chunk_a, cb_b, idx_b, n_b, chunk_b):
    rpw_a, rpw_b = n_a // _NW, n_b // _NW
    mesh = plsc.VectorSubcoreMesh(
        core_axis_name="c", subcore_axis_name="s",
        num_cores=_NC, num_subcores=_NS)
    maxchunk = max(chunk_a, chunk_b)

    @functools.partial(
        pl.kernel,
        out_type=(jax.ShapeDtypeStruct((n_a, _D), jnp.float32),
                  jax.ShapeDtypeStruct((n_b, _D), jnp.float32)),
        mesh=mesh,
        scratch_types=[
            pltpu.VMEM((rpw_a,), jnp.int32),
            pltpu.VMEM((rpw_b,), jnp.int32),
            pltpu.VMEM((maxchunk, _D), jnp.float32),
            pltpu.VMEM((maxchunk, _D), jnp.float32),
            pltpu.SemaphoreType.DMA,
            pltpu.SemaphoreType.DMA,
        ],
    )
    def gather_kernel(cba_hbm, idxa_hbm, cbb_hbm, idxb_hbm, outa_hbm, outb_hbm,
                      idxa_v, idxb_v, rows_x, rows_y, gsem, osem):
        wid = jax.lax.axis_index("s") * _NC + jax.lax.axis_index("c")
        base_a = wid * rpw_a
        base_b = wid * rpw_b
        pltpu.sync_copy(idxa_hbm.at[pl.ds(base_a, rpw_a)], idxa_v)
        pltpu.sync_copy(idxb_hbm.at[pl.ds(base_b, rpw_b)], idxb_v)

        chunks = []
        for c in range(rpw_a // chunk_a):
            chunks.append((cba_hbm, idxa_v, c * chunk_a, outa_hbm,
                           base_a + c * chunk_a, chunk_a))
        for c in range(rpw_b // chunk_b):
            chunks.append((cbb_hbm, idxb_v, c * chunk_b, outb_hbm,
                           base_b + c * chunk_b, chunk_b))
        nch = len(chunks)
        bufs = (rows_x, rows_y)

        def gather(i, buf):
            src, idxv, ioff, _, _, rows = chunks[i]
            return pltpu.async_copy(
                src.at[idxv.at[pl.ds(ioff, rows)]],
                buf.at[pl.ds(0, rows)], gsem)

        def put(i, buf):
            _, _, _, out, ooff, rows = chunks[i]
            return pltpu.async_copy(
                buf.at[pl.ds(0, rows)], out.at[pl.ds(ooff, rows)], osem)

        g_descs = [None] * nch
        o_descs = [None] * nch
        g_descs[0] = gather(0, bufs[0])
        for c in range(nch):
            if c + 1 < nch:
                if c >= 1:
                    o_descs[c - 1].wait()
                g_descs[c + 1] = gather(c + 1, bufs[(c + 1) % 2])
            g_descs[c].wait()
            o_descs[c] = put(c, bufs[c % 2])
        if nch >= 2:
            o_descs[nch - 2].wait()
        o_descs[nch - 1].wait()

    return gather_kernel(cb_a, idx_a, cb_b, idx_b)


def kernel(l0, l1, l2, cb0, cb1, cb2):
    x0 = l0.reshape(-1, _D)
    x1 = l1.reshape(-1, _D)
    x2 = l2.reshape(-1, _D)
    idx0, s0, _ = _vq_level(x0, cb0, 2048, False)
    idx1, s1, q1 = _vq_level(x1, cb1, 2048, True)
    idx2, s2, q2 = _vq_level(x2, cb2, 2048, True)
    q0 = _sc_gather(cb0, idx0, x0.shape[0], 64)
    total = (
        (1.0 + _COSTS[0]) * s0 / l0.size
        + (1.0 + _COSTS[1]) * s1 / l1.size
        + (1.0 + _COSTS[2]) * s2 / l2.size
    )
    return (idx0.reshape(l0.shape[:-1]), idx1.reshape(l1.shape[:-1]),
            idx2.reshape(l2.shape[:-1]), total,
            q0.reshape(l0.shape), q1.reshape(l1.shape), q2.reshape(l2.shape))

# --- scband reference (transcript-rebuilt; emitter-appended) ---
"""Pipeline reference for scband-spatial-hrvqtokenizer-57080115364778 (READ-ONLY COPY).

The authoritative reference and input builder live on the scoring server;
editing this copy changes nothing except your own understanding.
"""

import jax, jax.numpy as jnp
import numpy as np

D_MODEL = 384
NUM_CODES = {'l0': 16, 'l1': 64, 'l2': 64}
COSTS = {'l0': 0.05, 'l1': 0.25, 'l2': 0.6}


def setup_inputs(seed: int = 0) -> dict:
    key = jax.random.key(seed)
    k0, k1, k2, kc0, kc1, kc2 = jax.random.split(key, 6)
    l0 = jax.random.normal(k0, (32, 64, D_MODEL), dtype=jnp.float32)
    l1 = jax.random.normal(k1, (32, 256, D_MODEL), dtype=jnp.float32)
    l2 = jax.random.normal(k2, (32, 1024, D_MODEL), dtype=jnp.float32)
    # codebooks initialized like nn.init.uniform_(w, -1/num_codes, 1/num_codes)
    cb0 = jax.random.uniform(kc0, (NUM_CODES['l0'], D_MODEL), minval=-1.0 / NUM_CODES['l0'], maxval=1.0 / NUM_CODES['l0'], dtype=jnp.float32)
    cb1 = jax.random.uniform(kc1, (NUM_CODES['l1'], D_MODEL), minval=-1.0 / NUM_CODES['l1'], maxval=1.0 / NUM_CODES['l1'], dtype=jnp.float32)
    cb2 = jax.random.uniform(kc2, (NUM_CODES['l2'], D_MODEL), minval=-1.0 / NUM_CODES['l2'], maxval=1.0 / NUM_CODES['l2'], dtype=jnp.float32)
    return {'l0': l0, 'l1': l1, 'l2': l2, 'cb0': cb0, 'cb1': cb1, 'cb2': cb2}


def _gradient_vq(x, codebook, commitment_cost):
    orig_shape = x.shape
    flat = x.reshape(-1, orig_shape[-1])
    # squared euclidean distances (argmin identical to torch.cdist p=2 argmin)
    d2 = (jnp.sum(flat * flat, axis=1, keepdims=True)
          - 2.0 * flat @ codebook.T
          + jnp.sum(codebook * codebook, axis=1)[None, :])
    indices_flat = jnp.argmin(d2, axis=-1)
    quantized_flat = jnp.take(codebook, indices_flat, axis=0)
    codebook_loss = jnp.mean((quantized_flat - jax.lax.stop_gradient(flat)) ** 2)
    commitment_loss = jnp.mean((flat - jax.lax.stop_gradient(quantized_flat)) ** 2)
    vq_loss = codebook_loss + commitment_cost * commitment_loss
    quantized_st = flat + jax.lax.stop_gradient(quantized_flat - flat)
    return quantized_st.reshape(orig_shape), vq_loss, indices_flat.reshape(orig_shape[:-1])


def reference(l0, l1, l2, cb0, cb1, cb2):
    q0, loss0, idx0 = _gradient_vq(l0, cb0, COSTS['l0'])
    q1, loss1, idx1 = _gradient_vq(l1, cb1, COSTS['l1'])
    q2, loss2, idx2 = _gradient_vq(l2, cb2, COSTS['l2'])
    total_vq_loss = loss0 + loss1 + loss2
    # token_dict, total_vq_loss, quant_dict flattened into a tuple
    return (idx0, idx1, idx2, total_vq_loss, q0, q1, q2)

if __name__ == "__main__":
    import jax
    _d = setup_inputs()
    print(jax.jit(kernel)(*tuple(_d.values())))

</pallas_src>

<mosaic_0001>
#map = affine_map<(d0, d1) -> (0, 0)>
#map1 = affine_map<(d0, d1) -> (0)>
module attributes {stable_mosaic.version = 14 : i64} {
  func.func @gather_kernel(%arg0: i32, %arg1: i32, %arg2: memref<16x384xf32, #tpu.memory_space<hbm>>, %arg3: memref<2048xi32, #tpu.memory_space<hbm>>, %arg4: memref<2048x384xf32, #tpu.memory_space<hbm>>, %arg5: memref<64xi32, #tpu.memory_space<vmem>>, %arg6: memref<64x384xf32, #tpu.memory_space<vmem>>, %arg7: memref<64x384xf32, #tpu.memory_space<vmem>>, %arg8: memref<!tpu.dma_semaphore, #tpu.memory_space<semaphore_mem>>, %arg9: memref<!tpu.dma_semaphore, #tpu.memory_space<semaphore_mem>>) attributes {dimension_semantics = [#tpu.dimension_semantics<core_parallel>, #tpu.dimension_semantics<subcore_parallel>], iteration_bounds = array<i64: 2, 16>, scalar_prefetch = 0 : i64, scratch_operands = 5 : i64, tpu.core_type = #tpu.core_type<sc_vector_subcore>, window_params = [{transform_indices = #map}, {transform_indices = #map1}, {transform_indices = #map}]} {
    %mul3A = arith.constant 2 : i32
    %mul3A_0 = arith.muli %arg1, %mul3A : i32
    %add3A = arith.addi %mul3A_0, %arg0 : i32
    %mul3A_1 = arith.constant 64 : i32
    %mul3A_2 = arith.muli %add3A, %mul3A_1 : i32
    "tpu.region"() ({
      %run_scoped3A = tpu.sem_alloc : memref<!tpu.dma_semaphore, #tpu.memory_space<semaphore_mem>>
      %dma_start3A_21 = tpu.memref_slice %arg3[%mul3A_2] : memref<2048xi32, #tpu.memory_space<hbm>> -> memref<64xi32, #tpu.memory_space<hbm>>
      %dma_start3A_22 = tpu.memref_slice %arg3[%mul3A_2] : memref<2048xi32, #tpu.memory_space<hbm>> -> memref<64xi32, #tpu.memory_space<hbm>>
      tpu.enqueue_dma source(%dma_start3A_22 : memref<64xi32, #tpu.memory_space<hbm>>) target(%arg5 : memref<64xi32, #tpu.memory_space<vmem>>) target_semaphore(%run_scoped3A : memref<!tpu.dma_semaphore, #tpu.memory_space<semaphore_mem>>)
      %dma_wait3A_23 = tpu.memref_slice %arg3[%mul3A_2] : memref<2048xi32, #tpu.memory_space<hbm>> -> memref<64xi32, #tpu.memory_space<hbm>>
      %dma_wait3A_24 = tpu.memref_slice %arg3[%mul3A_2] : memref<2048xi32, #tpu.memory_space<hbm>> -> memref<64xi32, #tpu.memory_space<hbm>>
      tpu.wait_dma2 semaphore(%run_scoped3A : memref<!tpu.dma_semaphore, #tpu.memory_space<semaphore_mem>>) src(%dma_wait3A_24 : memref<64xi32, #tpu.memory_space<hbm>>) dst(%arg5 : memref<64xi32, #tpu.memory_space<vmem>>)
      tpu.yield
    }) : () -> ()
    %dma_start3A = arith.constant 0 : i32
    %dma_start3A_3 = tpu.memref_slice %arg5[%dma_start3A] : memref<64xi32, #tpu.memory_space<vmem>> -> memref<64xi32, #tpu.memory_space<vmem>>
    %dma_start3A_4 = arith.constant 0 : i32
    %dma_start3A_5 = arith.constant 0 : i32
    %dma_start3A_6 = tpu.memref_slice %arg2[%dma_start3A_4, %dma_start3A_5] : memref<16x384xf32, #tpu.memory_space<hbm>> -> memref<16x384xf32, #tpu.memory_space<hbm>>
    tpu.enqueue_indirect_dma source(%dma_start3A_6 : memref<16x384xf32, #tpu.memory_space<hbm>>) target(%arg6 : memref<64x384xf32, #tpu.memory_space<vmem>>) offsets(%dma_start3A_3 : memref<64xi32, #tpu.memory_space<vmem>>) semaphore(%arg8 : memref<!tpu.dma_semaphore, #tpu.memory_space<semaphore_mem>>)
    %dma_wait3A = arith.constant 0 : i32
    %dma_wait3A_7 = tpu.memref_slice %arg5[%dma_wait3A] : memref<64xi32, #tpu.memory_space<vmem>> -> memref<64xi32, #tpu.memory_space<vmem>>
    %dma_wait3A_8 = arith.constant 0 : i32
    %dma_wait3A_9 = arith.constant 0 : i32
    %dma_wait3A_10 = tpu.memref_slice %arg2[%dma_wait3A_8, %dma_wait3A_9] : memref<16x384xf32, #tpu.memory_space<hbm>> -> memref<16x384xf32, #tpu.memory_space<hbm>>
    tpu.wait_indirect_dma semaphore(%arg8 : memref<!tpu.dma_semaphore, #tpu.memory_space<semaphore_mem>>) src(%dma_wait3A_10 : memref<16x384xf32, #tpu.memory_space<hbm>>) dst(%arg6 : memref<64x384xf32, #tpu.memory_space<vmem>>)
    %add3A_11 = arith.constant 0 : i32
    %add3A_12 = arith.addi %mul3A_2, %add3A_11 : i32
    %dma_start3A_13 = arith.constant 0 : i32
    %dma_start3A_14 = tpu.memref_slice %arg4[%add3A_12, %dma_start3A_13] : memref<2048x384xf32, #tpu.memory_space<hbm>> -> memref<64x384xf32, #tpu.memory_space<hbm>>
    %dma_start3A_15 = arith.constant 0 : i32
    %dma_start3A_16 = tpu.memref_slice %arg4[%add3A_12, %dma_start3A_15] : memref<2048x384xf32, #tpu.memory_space<hbm>> -> memref<64x384xf32, #tpu.memory_space<hbm>>
    tpu.enqueue_dma source(%arg6 : memref<64x384xf32, #tpu.memory_space<vmem>>) target(%dma_start3A_16 : memref<64x384xf32, #tpu.memory_space<hbm>>) target_semaphore(%arg9 : memref<!tpu.dma_semaphore, #tpu.memory_space<semaphore_mem>>)
    %dma_wait3A_17 = arith.constant 0 : i32
    %dma_wait3A_18 = tpu.memref_slice %arg4[%add3A_12, %dma_wait3A_17] : memref<2048x384xf32, #tpu.memory_space<hbm>> -> memref<64x384xf32, #tpu.memory_space<hbm>>
    %dma_wait3A_19 = arith.constant 0 : i32
    %dma_wait3A_20 = tpu.memref_slice %arg4[%add3A_12, %dma_wait3A_19] : memref<2048x384xf32, #tpu.memory_space<hbm>> -> memref<64x384xf32, #tpu.memory_space<hbm>>
    tpu.wait_dma2 semaphore(%arg9 : memref<!tpu.dma_semaphore, #tpu.memory_space<semaphore_mem>>) src(%arg6 : memref<64x384xf32, #tpu.memory_space<vmem>>) dst(%dma_wait3A_20 : memref<64x384xf32, #tpu.memory_space<hbm>>)
    return
  }
}

module attributes {stable_mosaic.version = 14 : i64} {
  func.func @_vq_body(%arg0: i32, %arg1: memref<2048x384xf32, #tpu.memory_space<vmem>>, %arg2: memref<16x384xf32, #tpu.memory_space<vmem>>, %arg3: memref<2048xi32, #tpu.memory_space<vmem>>, %arg4: memref<1x1xf32, #tpu.memory_space<smem>>) attributes {dimension_semantics = [#tpu.dimension_semantics<arbitrary>], iteration_bounds = array<i64: 1>, scalar_prefetch = 0 : i64, scratch_operands = 0 : i64, tpu.core_type = #tpu.core_type<tc>, window_params = [{transform_indices = @transform_0, window_bounds = array<i64: 2048, 384>}, {pipeline_mode = #tpu.pipeline_mode<synchronous>, transform_indices = @transform_1, window_bounds = array<i64: 16, 384>}, {transform_indices = @transform_2, window_bounds = array<i64: 2048>}, {transform_indices = @transform_3, window_bounds = array<i64: 1, 1>}]} {
    %get3A = arith.constant 0 : index
    %get3A_0 = arith.constant 0 : index
    %get3A_1 = vector.load %arg1[%get3A, %get3A_0] : memref<2048x384xf32, #tpu.memory_space<vmem>>, vector<2048x384xf32>
    %get3A_2 = arith.constant 0 : index
    %get3A_3 = arith.constant 0 : index
    %get3A_4 = vector.load %arg2[%get3A_2, %get3A_3] : memref<16x384xf32, #tpu.memory_space<vmem>>, vector<16x384xf32>
    %mul3A = arith.mulf %get3A_4, %get3A_4 : vector<16x384xf32>
    %reduce_sum3A = arith.constant dense<0.000000e+00> : vector<16xf32>
    %reduce_sum3A_5 = vector.multi_reduction <add>, %mul3A, %reduce_sum3A [1] : vector<16x384xf32> to vector<16xf32>
    %broadcast_in_dim3A = vector.shape_cast %reduce_sum3A_5 : vector<16xf32> to vector<1x16xf32>
    %dot_general3A = arith.constant dense<0.000000e+00> : vector<2048x16xf32>
    %dot_general3A_6 = tpu.matmul %get3A_1, %get3A_4, %dot_general3A {dimension_numbers = #tpu.dot_dimension_numbers<[1], [1], [0], [0], [0, 0, 1, 0], [], []>, transpose_lhs_hint = false} : vector<2048x384xf32>, vector<16x384xf32>, vector<2048x16xf32> -> vector<2048x16xf32>
    %broadcast_in_dim3A_7 = arith.constant 1.000000e+00 : f32
    %broadcast_in_dim3A_8 = vector.broadcast %broadcast_in_dim3A_7 : f32 to vector<384x16xf32>
    %mul3A_9 = arith.mulf %get3A_1, %get3A_1 : vector<2048x384xf32>
    %dot_general3A_10 = arith.constant dense<0.000000e+00> : vector<2048x16xf32>
    %dot_general3A_11 = tpu.matmul %mul3A_9, %broadcast_in_dim3A_8, %dot_general3A_10 {dimension_numbers = #tpu.dot_dimension_numbers<[1], [0], [0], [1], [0, 0, 1, 1], [], []>, transpose_lhs_hint = false} : vector<2048x384xf32>, vector<384x16xf32>, vector<2048x16xf32> -> vector<2048x16xf32>
    %mul3A_12 = arith.constant 2.000000e+00 : f32
    %mul3A_13 = vector.broadcast %mul3A_12 : f32 to vector<2048x16xf32>
    %mul3A_14 = arith.mulf %mul3A_13, %dot_general3A_6 : vector<2048x16xf32>
    %sub3A = arith.subf %dot_general3A_11, %mul3A_14 : vector<2048x16xf32>
    %add3A = vector.broadcast %broadcast_in_dim3A : vector<1x16xf32> to vector<2048x16xf32>
    %add3A_15 = arith.addf %sub3A, %add3A : vector<2048x16xf32>
    %reduce_min3A = arith.constant dense<0x7F800000> : vector<2048xf32>
    %reduce_min3A_16 = vector.multi_reduction <minimumf>, %add3A_15, %reduce_min3A [1] : vector<2048x16xf32> to vector<2048xf32>
    %broadcast_in_dim3A_17 = vector.shape_cast %reduce_min3A_16 : vector<2048xf32> to vector<2048x1xf32>
    %eq3A = vector.broadcast %broadcast_in_dim3A_17 : vector<2048x1xf32> to vector<2048x16xf32>
    %eq3A_18 = arith.cmpf oeq, %add3A_15, %eq3A : vector<2048x16xf32>
    %convert_element_type3A = arith.extui %eq3A_18 : vector<2048x16xi1> to vector<2048x16xi32>
    %convert_element_type3A_19 = arith.sitofp %convert_element_type3A : vector<2048x16xi32> to vector<2048x16xf32>
    %iota3A = tpu.iota {dimensions = array<i32: 0>} : vector<16x16xi32>
    %sub3A_20 = arith.constant 127 : i32
    %sub3A_21 = vector.broadcast %sub3A_20 : i32 to vector<16x16xi32>
    %sub3A_22 = arith.subi %sub3A_21, %iota3A : vector<16x16xi32>
    %shift_left3A = arith.constant 23 : i32
    %shift_left3A_23 = vector.broadcast %shift_left3A : i32 to vector<16x16xi32>
    %shift_left3A_24 = arith.shli %sub3A_22, %shift_left3A_23 : vector<16x16xi32>
    %bitcast_convert_type3A = tpu.bitcast %shift_left3A_24 : vector<16x16xi32> -> vector<16x16xf32>
    %dot_general3A_25 = arith.constant dense<0.000000e+00> : vector<2048x16xf32>
    %dot_general3A_26 = tpu.matmul %convert_element_type3A_19, %bitcast_convert_type3A, %dot_general3A_25 {dimension_numbers = #tpu.dot_dimension_numbers<[1], [0], [0], [1], [0, 0, 1, 1], [], []>, transpose_lhs_hint = false} : vector<2048x16xf32>, vector<16x16xf32>, vector<2048x16xf32> -> vector<2048x16xf32>
    %bitcast_convert_type3A_27 = tpu.bitcast %dot_general3A_26 : vector<2048x16xf32> -> vector<2048x16xi32>
    %shift_right_logical3A = arith.constant 23 : i32
    %shift_right_logical3A_28 = vector.broadcast %shift_right_logical3A : i32 to vector<2048x16xi32>
    %shift_right_logical3A_29 = arith.shrui %bitcast_convert_type3A_27, %shift_right_logical3A_28 : vector<2048x16xi32>
    %sub3A_30 = arith.constant 127 : i32
    %sub3A_31 = vector.broadcast %sub3A_30 : i32 to vector<2048x16xi32>
    %sub3A_32 = arith.subi %sub3A_31, %shift_right_logical3A_29 : vector<2048x16xi32>
    %slice3A = vector.extract_strided_slice %sub3A_32 {offsets = [0, 0], sizes = [2048, 1], strides = [1, 1]} : vector<2048x16xi32> to vector<2048x1xi32>
    %squeeze3A = vector.shape_cast %slice3A : vector<2048x1xi32> to vector<2048xi32>
    %swap3A = arith.constant 0 : index
    %swap3A_33 = vector.load %arg3[%swap3A] : memref<2048xi32, #tpu.memory_space<vmem>>, vector<2048xi32>
    tpu.vector_store %arg3[%swap3A], %squeeze3A {strides = array<i32>} : memref<2048xi32, #tpu.memory_space<vmem>>, vector<2048xi32>,
    %reduce_sum3A_34 = vector.shape_cast %broadcast_in_dim3A_17 : vector<2048x1xf32> to vector<1x2048x1xf32>
    %reduce_sum3A_35 = arith.constant dense<0.000000e+00> : vector<1xf32>
    %reduce_sum3A_36 = vector.multi_reduction <add>, %reduce_sum3A_34, %reduce_sum3A_35 [1, 2] : vector<1x2048x1xf32> to vector<1xf32>
    %reduce_sum3A_37 = vector.shape_cast %reduce_sum3A_36 : vector<1xf32> to vector<1x1x1xf32>
    %reduce_sum3A_38 = vector.extract %reduce_sum3A_37[0, 0, 0] : f32 from vector<1x1x1xf32>
    %eq3A_39 = arith.constant 0 : i32
    %eq3A_40 = arith.cmpi eq, %arg0, %eq3A_39 : i32
    %convert_element_type3A_41 = arith.extui %eq3A_40 : i1 to i32
    %cond3A = arith.constant 0 : i32
    %cond3A_42 = arith.cmpi ne, %convert_element_type3A_41, %cond3A : i32
    scf.if %cond3A_42 {
      %swap3A_50 = arith.constant 0.000000e+00 : f32
      %swap3A_51 = arith.constant 0 : index
      %swap3A_52 = arith.constant 0 : index
      %swap3A_53 = memref.load %arg4[%swap3A_51, %swap3A_52] : memref<1x1xf32, #tpu.memory_space<smem>>
      memref.store %swap3A_50, %arg4[%swap3A_51, %swap3A_52] : memref<1x1xf32, #tpu.memory_space<smem>>
    } else {
    }
    %get3A_43 = arith.constant 0 : index
    %get3A_44 = arith.constant 0 : index
    %get3A_45 = memref.load %arg4[%get3A_43, %get3A_44] : memref<1x1xf32, #tpu.memory_space<smem>>
    %add3A_46 = arith.addf %get3A_45, %reduce_sum3A_38 : f32
    %swap3A_47 = arith.constant 0 : index
    %swap3A_48 = arith.constant 0 : index
    %swap3A_49 = memref.load %arg4[%swap3A_47, %swap3A_48] : memref<1x1xf32, #tpu.memory_space<smem>>
    memref.store %add3A_46, %arg4[%swap3A_47, %swap3A_48] : memref<1x1xf32, #tpu.memory_space<smem>>
    return
  }
  func.func @transform_0(%arg0: i32) -> (i32, i32) {
    %c0_i32 = arith.constant 0 : i32
    %c0_i32_0 = arith.constant 0 : i32
    return %arg0, %c0_i32 : i32, i32
  }
  func.func @transform_1(%arg0: i32) -> (i32, i32) {
    %c0_i32 = arith.constant 0 : i32
    %c0_i32_0 = arith.constant 0 : i32
    %c0_i32_1 = arith.constant 0 : i32
    return %c0_i32, %c0_i32_0 : i32, i32
  }
  func.func @transform_2(%arg0: i32) -> i32 {
    %c0_i32 = arith.constant 0 : i32
    return %arg0 : i32
  }
  func.func @transform_3(%arg0: i32) -> (i32, i32) {
    %c0_i32 = arith.constant 0 : i32
    %c0_i32_0 = arith.constant 0 : i32
    %c0_i32_1 = arith.constant 0 : i32
    return %c0_i32, %c0_i32_0 : i32, i32
  }
}

module attributes {stable_mosaic.version = 14 : i64} {
  func.func @_vq_body_q(%arg0: i32, %arg1: memref<2048x384xf32, #tpu.memory_space<vmem>>, %arg2: memref<64x384xf32, #tpu.memory_space<vmem>>, %arg3: memref<2048xi32, #tpu.memory_space<vmem>>, %arg4: memref<1x1xf32, #tpu.memory_space<smem>>, %arg5: memref<2048x384xf32, #tpu.memory_space<vmem>>) attributes {dimension_semantics = [#tpu.dimension_semantics<arbitrary>], iteration_bounds = array<i64: 16>, scalar_prefetch = 0 : i64, scratch_operands = 0 : i64, tpu.core_type = #tpu.core_type<tc>, window_params = [{transform_indices = @transform_0, window_bounds = array<i64: 2048, 384>}, {pipeline_mode = #tpu.pipeline_mode<synchronous>, transform_indices = @transform_1, window_bounds = array<i64: 64, 384>}, {transform_indices = @transform_2, window_bounds = array<i64: 2048>}, {transform_indices = @transform_3, window_bounds = array<i64: 1, 1>}, {transform_indices = @transform_4, window_bounds = array<i64: 2048, 384>}]} {
    %get3A = arith.constant 0 : index
    %get3A_0 = arith.constant 0 : index
    %get3A_1 = vector.load %arg1[%get3A, %get3A_0] : memref<2048x384xf32, #tpu.memory_space<vmem>>, vector<2048x384xf32>
    %get3A_2 = arith.constant 0 : index
    %get3A_3 = arith.constant 0 : index
    %get3A_4 = vector.load %arg2[%get3A_2, %get3A_3] : memref<64x384xf32, #tpu.memory_space<vmem>>, vector<64x384xf32>
    %mul3A = arith.mulf %get3A_4, %get3A_4 : vector<64x384xf32>
    %reduce_sum3A = arith.constant dense<0.000000e+00> : vector<64xf32>
    %reduce_sum3A_5 = vector.multi_reduction <add>, %mul3A, %reduce_sum3A [1] : vector<64x384xf32> to vector<64xf32>
    %broadcast_in_dim3A = vector.shape_cast %reduce_sum3A_5 : vector<64xf32> to vector<1x64xf32>
    %dot_general3A = arith.constant dense<0.000000e+00> : vector<2048x64xf32>
    %dot_general3A_6 = tpu.matmul %get3A_1, %get3A_4, %dot_general3A {dimension_numbers = #tpu.dot_dimension_numbers<[1], [1], [0], [0], [0, 0, 1, 0], [], []>, transpose_lhs_hint = false} : vector<2048x384xf32>, vector<64x384xf32>, vector<2048x64xf32> -> vector<2048x64xf32>
    %broadcast_in_dim3A_7 = arith.constant 1.000000e+00 : f32
    %broadcast_in_dim3A_8 = vector.broadcast %broadcast_in_dim3A_7 : f32 to vector<384x64xf32>
    %mul3A_9 = arith.mulf %get3A_1, %get3A_1 : vector<2048x384xf32>
    %dot_general3A_10 = arith.constant dense<0.000000e+00> : vector<2048x64xf32>
    %dot_general3A_11 = tpu.matmul %mul3A_9, %broadcast_in_dim3A_8, %dot_general3A_10 {dimension_numbers = #tpu.dot_dimension_numbers<[1], [0], [0], [1], [0, 0, 1, 1], [], []>, transpose_lhs_hint = false} : vector<2048x384xf32>, vector<384x64xf32>, vector<2048x64xf32> -> vector<2048x64xf32>
    %mul3A_12 = arith.constant 2.000000e+00 : f32
    %mul3A_13 = vector.broadcast %mul3A_12 : f32 to vector<2048x64xf32>
    %mul3A_14 = arith.mulf %mul3A_13, %dot_general3A_6 : vector<2048x64xf32>
    %sub3A = arith.subf %dot_general3A_11, %mul3A_14 : vector<2048x64xf32>
    %add3A = vector.broadcast %broadcast_in_dim3A : vector<1x64xf32> to vector<2048x64xf32>
    %add3A_15 = arith.addf %sub3A, %add3A : vector<2048x64xf32>
    %reduce_min3A = arith.constant dense<0x7F800000> : vector<2048xf32>
    %reduce_min3A_16 = vector.multi_reduction <minimumf>, %add3A_15, %reduce_min3A [1] : vector<2048x64xf32> to vector<2048xf32>
    %broadcast_in_dim3A_17 = vector.shape_cast %reduce_min3A_16 : vector<2048xf32> to vector<2048x1xf32>
    %eq3A = vector.broadcast %broadcast_in_dim3A_17 : vector<2048x1xf32> to vector<2048x64xf32>
    %eq3A_18 = arith.cmpf oeq, %add3A_15, %eq3A : vector<2048x64xf32>
    %convert_element_type3A = arith.extui %eq3A_18 : vector<2048x64xi1> to vector<2048x64xi32>
    %convert_element_type3A_19 = arith.sitofp %convert_element_type3A : vector<2048x64xi32> to vector<2048x64xf32>
    %iota3A = tpu.iota {dimensions = array<i32: 0>} : vector<64x64xi32>
    %sub3A_20 = arith.constant 127 : i32
    %sub3A_21 = vector.broadcast %sub3A_20 : i32 to vector<64x64xi32>
    %sub3A_22 = arith.subi %sub3A_21, %iota3A : vector<64x64xi32>
    %shift_left3A = arith.constant 23 : i32
    %shift_left3A_23 = vector.broadcast %shift_left3A : i32 to vector<64x64xi32>
    %shift_left3A_24 = arith.shli %sub3A_22, %shift_left3A_23 : vector<64x64xi32>
    %bitcast_convert_type3A = tpu.bitcast %shift_left3A_24 : vector<64x64xi32> -> vector<64x64xf32>
    %dot_general3A_25 = arith.constant dense<0.000000e+00> : vector<2048x64xf32>
    %dot_general3A_26 = tpu.matmul %convert_element_type3A_19, %bitcast_convert_type3A, %dot_general3A_25 {dimension_numbers = #tpu.dot_dimension_numbers<[1], [0], [0], [1], [0, 0, 1, 1], [], []>, transpose_lhs_hint = false} : vector<2048x64xf32>, vector<64x64xf32>, vector<2048x64xf32> -> vector<2048x64xf32>
    %bitcast_convert_type3A_27 = tpu.bitcast %dot_general3A_26 : vector<2048x64xf32> -> vector<2048x64xi32>
    %shift_right_logical3A = arith.constant 23 : i32
    %shift_right_logical3A_28 = vector.broadcast %shift_right_logical3A : i32 to vector<2048x64xi32>
    %shift_right_logical3A_29 = arith.shrui %bitcast_convert_type3A_27, %shift_right_logical3A_28 : vector<2048x64xi32>
    %sub3A_30 = arith.constant 127 : i32
    %sub3A_31 = vector.broadcast %sub3A_30 : i32 to vector<2048x64xi32>
    %sub3A_32 = arith.subi %sub3A_31, %shift_right_logical3A_29 : vector<2048x64xi32>
    %slice3A = vector.extract_strided_slice %sub3A_32 {offsets = [0, 0], sizes = [2048, 1], strides = [1, 1]} : vector<2048x64xi32> to vector<2048x1xi32>
    %squeeze3A = vector.shape_cast %slice3A : vector<2048x1xi32> to vector<2048xi32>
    %swap3A = arith.constant 0 : index
    %swap3A_33 = vector.load %arg3[%swap3A] : memref<2048xi32, #tpu.memory_space<vmem>>, vector<2048xi32>
    tpu.vector_store %arg3[%swap3A], %squeeze3A {strides = array<i32>} : memref<2048xi32, #tpu.memory_space<vmem>>, vector<2048xi32>,
    %iota3A_34 = tpu.iota {dimensions = array<i32: 1>} : vector<2048x64xi32>
    %eq3A_35 = arith.cmpi eq, %iota3A_34, %sub3A_32 : vector<2048x64xi32>
    %convert_element_type3A_36 = arith.extui %eq3A_35 : vector<2048x64xi1> to vector<2048x64xi32>
    %convert_element_type3A_37 = arith.sitofp %convert_element_type3A_36 : vector<2048x64xi32> to vector<2048x64xf32>
    %convert_element_type3A_38 = arith.truncf %get3A_4 : vector<64x384xf32> to vector<64x384xbf16>
    %convert_element_type3A_39 = arith.extf %convert_element_type3A_38 : vector<64x384xbf16> to vector<64x384xf32>
    %sub3A_40 = arith.subf %get3A_4, %convert_element_type3A_39 : vector<64x384xf32>
    %dot_general3A_41 = arith.constant dense<0.000000e+00> : vector<2048x384xf32>
    %dot_general3A_42 = tpu.matmul %convert_element_type3A_37, %convert_element_type3A_39, %dot_general3A_41 {dimension_numbers = #tpu.dot_dimension_numbers<[1], [0], [0], [1], [0, 0, 1, 1], [], []>, transpose_lhs_hint = false} : vector<2048x64xf32>, vector<64x384xf32>, vector<2048x384xf32> -> vector<2048x384xf32>
    %dot_general3A_43 = arith.constant dense<0.000000e+00> : vector<2048x384xf32>
    %dot_general3A_44 = tpu.matmul %convert_element_type3A_37, %sub3A_40, %dot_general3A_43 {dimension_numbers = #tpu.dot_dimension_numbers<[1], [0], [0], [1], [0, 0, 1, 1], [], []>, transpose_lhs_hint = false} : vector<2048x64xf32>, vector<64x384xf32>, vector<2048x384xf32> -> vector<2048x384xf32>
    %add3A_45 = arith.addf %dot_general3A_42, %dot_general3A_44 : vector<2048x384xf32>
    %swap3A_46 = arith.constant 0 : index
    %swap3A_47 = arith.constant 0 : index
    %swap3A_48 = vector.load %arg5[%swap3A_46, %swap3A_47] : memref<2048x384xf32, #tpu.memory_space<vmem>>, vector<2048x384xf32>
    tpu.vector_store %arg5[%swap3A_46, %swap3A_47], %add3A_45 {strides = array<i32>} : memref<2048x384xf32, #tpu.memory_space<vmem>>, vector<2048x384xf32>,
    %reduce_sum3A_49 = vector.shape_cast %broadcast_in_dim3A_17 : vector<2048x1xf32> to vector<1x2048x1xf32>
    %reduce_sum3A_50 = arith.constant dense<0.000000e+00> : vector<1xf32>
    %reduce_sum3A_51 = vector.multi_reduction <add>, %reduce_sum3A_49, %reduce_sum3A_50 [1, 2] : vector<1x2048x1xf32> to vector<1xf32>
    %reduce_sum3A_52 = vector.shape_cast %reduce_sum3A_51 : vector<1xf32> to vector<1x1x1xf32>
    %reduce_sum3A_53 = vector.extract %reduce_sum3A_52[0, 0, 0] : f32 from vector<1x1x1xf32>
    %eq3A_54 = arith.constant 0 : i32
    %eq3A_55 = arith.cmpi eq, %arg0, %eq3A_54 : i32
    %convert_element_type3A_56 = arith.extui %eq3A_55 : i1 to i32
    %cond3A = arith.constant 0 : i32
    %cond3A_57 = arith.cmpi ne, %convert_element_type3A_56, %cond3A : i32
    scf.if %cond3A_57 {
      %swap3A_65 = arith.constant 0.000000e+00 : f32
      %swap3A_66 = arith.constant 0 : index
      %swap3A_67 = arith.constant 0 : index
      %swap3A_68 = memref.load %arg4[%swap3A_66, %swap3A_67] : memref<1x1xf32, #tpu.memory_space<smem>>
      memref.store %swap3A_65, %arg4[%swap3A_66, %swap3A_67] : memref<1x1xf32, #tpu.memory_space<smem>>
    } else {
    }
    %get3A_58 = arith.constant 0 : index
    %get3A_59 = arith.constant 0 : index
    %get3A_60 = memref.load %arg4[%get3A_58, %get3A_59] : memref<1x1xf32, #tpu.memory_space<smem>>
    %add3A_61 = arith.addf %get3A_60, %reduce_sum3A_53 : f32
    %swap3A_62 = arith.constant 0 : index
    %swap3A_63 = arith.constant 0 : index
    %swap3A_64 = memref.load %arg4[%swap3A_62, %swap3A_63] : memref<1x1xf32, #tpu.memory_space<smem>>
    memref.store %add3A_61, %arg4[%swap3A_62, %swap3A_63] : memref<1x1xf32, #tpu.memory_space<smem>>
    return
  }
  func.func @transform_0(%arg0: i32) -> (i32, i32) {
    %c0_i32 = arith.constant 0 : i32
    %c0_i32_0 = arith.constant 0 : i32
    return %arg0, %c0_i32 : i32, i32
  }
  func.func @transform_1(%arg0: i32) -> (i32, i32) {
    %c0_i32 = arith.constant 0 : i32
    %c0_i32_0 = arith.constant 0 : i32
    %c0_i32_1 = arith.constant 0 : i32
    return %c0_i32, %c0_i32_0 : i32, i32
  }
  func.func @transform_2(%arg0: i32) -> i32 {
    %c0_i32 = arith.constant 0 : i32
    return %arg0 : i32
  }
  func.func @transform_3(%arg0: i32) -> (i32, i32) {
    %c0_i32 = arith.constant 0 : i32
    %c0_i32_0 = arith.constant 0 : i32
    %c0_i32_1 = arith.constant 0 : i32
    return %c0_i32, %c0_i32_0 : i32, i32
  }
  func.func @transform_4(%arg0: i32) -> (i32, i32) {
    %c0_i32 = arith.constant 0 : i32
    %c0_i32_0 = arith.constant 0 : i32
    return %arg0, %c0_i32 : i32, i32
  }
}

module attributes {stable_mosaic.version = 14 : i64} {
  func.func @_vq_body_q(%arg0: i32, %arg1: memref<2048x384xf32, #tpu.memory_space<vmem>>, %arg2: memref<64x384xf32, #tpu.memory_space<vmem>>, %arg3: memref<2048xi32, #tpu.memory_space<vmem>>, %arg4: memref<1x1xf32, #tpu.memory_space<smem>>, %arg5: memref<2048x384xf32, #tpu.memory_space<vmem>>) attributes {dimension_semantics = [#tpu.dimension_semantics<arbitrary>], iteration_bounds = array<i64: 4>, scalar_prefetch = 0 : i64, scratch_operands = 0 : i64, tpu.core_type = #tpu.core_type<tc>, window_params = [{transform_indices = @transform_0, window_bounds = array<i64: 2048, 384>}, {pipeline_mode = #tpu.pipeline_mode<synchronous>, transform_indices = @transform_1, window_bounds = array<i64: 64, 384>}, {transform_indices = @transform_2, window_bounds = array<i64: 2048>}, {transform_indices = @transform_3, window_bounds = array<i64: 1, 1>}, {transform_indices = @transform_4, window_bounds = array<i64: 2048, 384>}]} {
    %get3A = arith.constant 0 : index
    %get3A_0 = arith.constant 0 : index
    %get3A_1 = vector.load %arg1[%get3A, %get3A_0] : memref<2048x384xf32, #tpu.memory_space<vmem>>, vector<2048x384xf32>
    %get3A_2 = arith.constant 0 : index
    %get3A_3 = arith.constant 0 : index
    %get3A_4 = vector.load %arg2[%get3A_2, %get3A_3] : memref<64x384xf32, #tpu.memory_space<vmem>>, vector<64x384xf32>
    %mul3A = arith.mulf %get3A_4, %get3A_4 : vector<64x384xf32>
    %reduce_sum3A = arith.constant dense<0.000000e+00> : vector<64xf32>
    %reduce_sum3A_5 = vector.multi_reduction <add>, %mul3A, %reduce_sum3A [1] : vector<64x384xf32> to vector<64xf32>
    %broadcast_in_dim3A = vector.shape_cast %reduce_sum3A_5 : vector<64xf32> to vector<1x64xf32>
    %dot_general3A = arith.constant dense<0.000000e+00> : vector<2048x64xf32>
    %dot_general3A_6 = tpu.matmul %get3A_1, %get3A_4, %dot_general3A {dimension_numbers = #tpu.dot_dimension_numbers<[1], [1], [0], [0], [0, 0, 1, 0], [], []>, transpose_lhs_hint = false} : vector<2048x384xf32>, vector<64x384xf32>, vector<2048x64xf32> -> vector<2048x64xf32>
    %broadcast_in_dim3A_7 = arith.constant 1.000000e+00 : f32
    %broadcast_in_dim3A_8 = vector.broadcast %broadcast_in_dim3A_7 : f32 to vector<384x64xf32>
    %mul3A_9 = arith.mulf %get3A_1, %get3A_1 : vector<2048x384xf32>
    %dot_general3A_10 = arith.constant dense<0.000000e+00> : vector<2048x64xf32>
    %dot_general3A_11 = tpu.matmul %mul3A_9, %broadcast_in_dim3A_8, %dot_general3A_10 {dimension_numbers = #tpu.dot_dimension_numbers<[1], [0], [0], [1], [0, 0, 1, 1], [], []>, transpose_lhs_hint = false} : vector<2048x384xf32>, vector<384x64xf32>, vector<2048x64xf32> -> vector<2048x64xf32>
    %mul3A_12 = arith.constant 2.000000e+00 : f32
    %mul3A_13 = vector.broadcast %mul3A_12 : f32 to vector<2048x64xf32>
    %mul3A_14 = arith.mulf %mul3A_13, %dot_general3A_6 : vector<2048x64xf32>
    %sub3A = arith.subf %dot_general3A_11, %mul3A_14 : vector<2048x64xf32>
    %add3A = vector.broadcast %broadcast_in_dim3A : vector<1x64xf32> to vector<2048x64xf32>
    %add3A_15 = arith.addf %sub3A, %add3A : vector<2048x64xf32>
    %reduce_min3A = arith.constant dense<0x7F800000> : vector<2048xf32>
    %reduce_min3A_16 = vector.multi_reduction <minimumf>, %add3A_15, %reduce_min3A [1] : vector<2048x64xf32> to vector<2048xf32>
    %broadcast_in_dim3A_17 = vector.shape_cast %reduce_min3A_16 : vector<2048xf32> to vector<2048x1xf32>
    %eq3A = vector.broadcast %broadcast_in_dim3A_17 : vector<2048x1xf32> to vector<2048x64xf32>
    %eq3A_18 = arith.cmpf oeq, %add3A_15, %eq3A : vector<2048x64xf32>
    %convert_element_type3A = arith.extui %eq3A_18 : vector<2048x64xi1> to vector<2048x64xi32>
    %convert_element_type3A_19 = arith.sitofp %convert_element_type3A : vector<2048x64xi32> to vector<2048x64xf32>
    %iota3A = tpu.iota {dimensions = array<i32: 0>} : vector<64x64xi32>
    %sub3A_20 = arith.constant 127 : i32
    %sub3A_21 = vector.broadcast %sub3A_20 : i32 to vector<64x64xi32>
    %sub3A_22 = arith.subi %sub3A_21, %iota3A : vector<64x64xi32>
    %shift_left3A = arith.constant 23 : i32
    %shift_left3A_23 = vector.broadcast %shift_left3A : i32 to vector<64x64xi32>
    %shift_left3A_24 = arith.shli %sub3A_22, %shift_left3A_23 : vector<64x64xi32>
    %bitcast_convert_type3A = tpu.bitcast %shift_left3A_24 : vector<64x64xi32> -> vector<64x64xf32>
    %dot_general3A_25 = arith.constant dense<0.000000e+00> : vector<2048x64xf32>
    %dot_general3A_26 = tpu.matmul %convert_element_type3A_19, %bitcast_convert_type3A, %dot_general3A_25 {dimension_numbers = #tpu.dot_dimension_numbers<[1], [0], [0], [1], [0, 0, 1, 1], [], []>, transpose_lhs_hint = false} : vector<2048x64xf32>, vector<64x64xf32>, vector<2048x64xf32> -> vector<2048x64xf32>
    %bitcast_convert_type3A_27 = tpu.bitcast %dot_general3A_26 : vector<2048x64xf32> -> vector<2048x64xi32>
    %shift_right_logical3A = arith.constant 23 : i32
    %shift_right_logical3A_28 = vector.broadcast %shift_right_logical3A : i32 to vector<2048x64xi32>
    %shift_right_logical3A_29 = arith.shrui %bitcast_convert_type3A_27, %shift_right_logical3A_28 : vector<2048x64xi32>
    %sub3A_30 = arith.constant 127 : i32
    %sub3A_31 = vector.broadcast %sub3A_30 : i32 to vector<2048x64xi32>
    %sub3A_32 = arith.subi %sub3A_31, %shift_right_logical3A_29 : vector<2048x64xi32>
    %slice3A = vector.extract_strided_slice %sub3A_32 {offsets = [0, 0], sizes = [2048, 1], strides = [1, 1]} : vector<2048x64xi32> to vector<2048x1xi32>
    %squeeze3A = vector.shape_cast %slice3A : vector<2048x1xi32> to vector<2048xi32>
    %swap3A = arith.constant 0 : index
    %swap3A_33 = vector.load %arg3[%swap3A] : memref<2048xi32, #tpu.memory_space<vmem>>, vector<2048xi32>
    tpu.vector_store %arg3[%swap3A], %squeeze3A {strides = array<i32>} : memref<2048xi32, #tpu.memory_space<vmem>>, vector<2048xi32>,
    %iota3A_34 = tpu.iota {dimensions = array<i32: 1>} : vector<2048x64xi32>
    %eq3A_35 = arith.cmpi eq, %iota3A_34, %sub3A_32 : vector<2048x64xi32>
    %convert_element_type3A_36 = arith.extui %eq3A_35 : vector<2048x64xi1> to vector<2048x64xi32>
    %convert_element_type3A_37 = arith.sitofp %convert_element_type3A_36 : vector<2048x64xi32> to vector<2048x64xf32>
    %convert_element_type3A_38 = arith.truncf %get3A_4 : vector<64x384xf32> to vector<64x384xbf16>
    %convert_element_type3A_39 = arith.extf %convert_element_type3A_38 : vector<64x384xbf16> to vector<64x384xf32>
    %sub3A_40 = arith.subf %get3A_4, %convert_element_type3A_39 : vector<64x384xf32>
    %dot_general3A_41 = arith.constant dense<0.000000e+00> : vector<2048x384xf32>
    %dot_general3A_42 = tpu.matmul %convert_element_type3A_37, %convert_element_type3A_39, %dot_general3A_41 {dimension_numbers = #tpu.dot_dimension_numbers<[1], [0], [0], [1], [0, 0, 1, 1], [], []>, transpose_lhs_hint = false} : vector<2048x64xf32>, vector<64x384xf32>, vector<2048x384xf32> -> vector<2048x384xf32>
    %dot_general3A_43 = arith.constant dense<0.000000e+00> : vector<2048x384xf32>
    %dot_general3A_44 = tpu.matmul %convert_element_type3A_37, %sub3A_40, %dot_general3A_43 {dimension_numbers = #tpu.dot_dimension_numbers<[1], [0], [0], [1], [0, 0, 1, 1], [], []>, transpose_lhs_hint = false} : vector<2048x64xf32>, vector<64x384xf32>, vector<2048x384xf32> -> vector<2048x384xf32>
    %add3A_45 = arith.addf %dot_general3A_42, %dot_general3A_44 : vector<2048x384xf32>
    %swap3A_46 = arith.constant 0 : index
    %swap3A_47 = arith.constant 0 : index
    %swap3A_48 = vector.load %arg5[%swap3A_46, %swap3A_47] : memref<2048x384xf32, #tpu.memory_space<vmem>>, vector<2048x384xf32>
    tpu.vector_store %arg5[%swap3A_46, %swap3A_47], %add3A_45 {strides = array<i32>} : memref<2048x384xf32, #tpu.memory_space<vmem>>, vector<2048x384xf32>,
    %reduce_sum3A_49 = vector.shape_cast %broadcast_in_dim3A_17 : vector<2048x1xf32> to vector<1x2048x1xf32>
    %reduce_sum3A_50 = arith.constant dense<0.000000e+00> : vector<1xf32>
    %reduce_sum3A_51 = vector.multi_reduction <add>, %reduce_sum3A_49, %reduce_sum3A_50 [1, 2] : vector<1x2048x1xf32> to vector<1xf32>
    %reduce_sum3A_52 = vector.shape_cast %reduce_sum3A_51 : vector<1xf32> to vector<1x1x1xf32>
    %reduce_sum3A_53 = vector.extract %reduce_sum3A_52[0, 0, 0] : f32 from vector<1x1x1xf32>
    %eq3A_54 = arith.constant 0 : i32
    %eq3A_55 = arith.cmpi eq, %arg0, %eq3A_54 : i32
    %convert_element_type3A_56 = arith.extui %eq3A_55 : i1 to i32
    %cond3A = arith.constant 0 : i32
    %cond3A_57 = arith.cmpi ne, %convert_element_type3A_56, %cond3A : i32
    scf.if %cond3A_57 {
      %swap3A_65 = arith.constant 0.000000e+00 : f32
      %swap3A_66 = arith.constant 0 : index
      %swap3A_67 = arith.constant 0 : index
      %swap3A_68 = memref.load %arg4[%swap3A_66, %swap3A_67] : memref<1x1xf32, #tpu.memory_space<smem>>
      memref.store %swap3A_65, %arg4[%swap3A_66, %swap3A_67] : memref<1x1xf32, #tpu.memory_space<smem>>
    } else {
    }
    %get3A_58 = arith.constant 0 : index
    %get3A_59 = arith.constant 0 : index
    %get3A_60 = memref.load %arg4[%get3A_58, %get3A_59] : memref<1x1xf32, #tpu.memory_space<smem>>
    %add3A_61 = arith.addf %get3A_60, %reduce_sum3A_53 : f32
    %swap3A_62 = arith.constant 0 : index
    %swap3A_63 = arith.constant 0 : index
    %swap3A_64 = memref.load %arg4[%swap3A_62, %swap3A_63] : memref<1x1xf32, #tpu.memory_space<smem>>
    memref.store %add3A_61, %arg4[%swap3A_62, %swap3A_63] : memref<1x1xf32, #tpu.memory_space<smem>>
    return
  }
  func.func @transform_0(%arg0: i32) -> (i32, i32) {
    %c0_i32 = arith.constant 0 : i32
    %c0_i32_0 = arith.constant 0 : i32
    return %arg0, %c0_i32 : i32, i32
  }
  func.func @transform_1(%arg0: i32) -> (i32, i32) {
    %c0_i32 = arith.constant 0 : i32
    %c0_i32_0 = arith.constant 0 : i32
    %c0_i32_1 = arith.constant 0 : i32
    return %c0_i32, %c0_i32_0 : i32, i32
  }
  func.func @transform_2(%arg0: i32) -> i32 {
    %c0_i32 = arith.constant 0 : i32
    return %arg0 : i32
  }
  func.func @transform_3(%arg0: i32) -> (i32, i32) {
    %c0_i32 = arith.constant 0 : i32
    %c0_i32_0 = arith.constant 0 : i32
    %c0_i32_1 = arith.constant 0 : i32
    return %c0_i32, %c0_i32_0 : i32, i32
  }
  func.func @transform_4(%arg0: i32) -> (i32, i32) {
    %c0_i32 = arith.constant 0 : i32
    %c0_i32_0 = arith.constant 0 : i32
    return %arg0, %c0_i32 : i32, i32
  }
}

</mosaic_0001>

<sc_bundles>
// kernel: kernel.6.cloned.1.call-start
scs
__scs_entry_jumppad:
0x0: {  	(pc) =	sbr.rel $0x88, $3  }
0x1: {  	(tag) =	ssettag $0x0;
	lr =	simm.s32 $0x1  }
0x2: {  	[smem:$0x3F9B] =	sst lr;
	_ =	strace $0xD0000000  }
0x3: {  	_ = 	snop  }
0x4: {  	_ = 	snop  }
0x5: {  	_ = 	snop  }
0x6: {  	_ = 	snop  }
0x7: {  	_ = 	snop  }
__scs_overlays_trampoline_lowered:
0x8: {  	[smem:$0x3FAA] =	sst s0  }
0x9: {  	[smem:$0x3FAB] =	sst s1  }
0xa: {  	[smem:$0x3FAC] =	sst s2  }
0xb: {  	[smem:$0x3FAD] =	sst s3  }
0xc: {  	[smem:$0x3FAE] =	sst s4  }
0xd: {  	[smem:$0x3FAF] =	sst s5  }
0xe: {  	[smem:$0x3FB0] =	sst s6  }
0xf: {  	[smem:$0x3FB1] =	sst s7  }
0x10: {  	[smem:$0x3FB2] =	sst s8  }
0x11: {  	[smem:$0x3FB3] =	sst s9;
	s0 =	simm.s32 @!p0 $0x0  }
0x12: {  	s1 =	sld [smem:$0x3F99];
	s0 =	simm.s32 @p0 $0x1  }
0x13: {  	[smem:$0x3FB4] =	sst s0;
	s0 =	simm.s32 @!p1 $0x0  }
0x14: {  	s2 =	sld [smem:$0x3F98];
	s0 =	simm.s32 @p1 $0x1  }
0x15: {  	[smem:$0x3FB5] =	sst s0;
	s0 =	simm.s32 @!p2 $0x0  }
0x16: {  	s3 =	sld [smem:$0x3FDB];
	s0 =	simm.s32 @p2 $0x1  }
0x17: {  	s4 =	simm.s32 $0x1BF5;
	[smem:$0x3FB7] =	sst s0  }
0x18: {  	s0 =	sld [smem:$0x3F9A];
	_ =	swait.ge [sflag:s4], $0x0  }
0x19: {  	s7 =	sld [smem:$0x3F9B]  }
0x1a: {  	s8 =	sadd.s32 $0xFFFFE003, lr  }
0x1b: {  	s9 =	sadd.s32 $0xFFFFFEF7, lr;
	s5 =	simm.s32 $0xFFFFFFFF;
	p2 =	slt.u32 s8, $0xFFFFF086  }
0x1c: {  	p1 =	slt.u32 s9, $0xF7A;
	s5 =	simm.s32 @!p2 $0x0  }
0x1d: {  	s5 =	simm.s32 @p1 $0x1;
	p0 =	seq.s32 s7, s2  }
0x1e: {  	s7 =	smul.u32 @!p0 $0xF7A, s2;
	p2 =	seq.s32 @!p0 s5, $0x0  }
0x1f: {  	s9 =	smul.u32 $0xF7A, s1;
	s8 =	simm.s32 @!p0 $0x1BF5;
	p2 =	por !p2, p0  }
0x20: {  	[sflag:s8] =	ssyncset.s32 @!p0 $0xFFFFF086;
	s6 =	sadd.s32 @!p0 s3, s7;
	s7 =	simm.s32 @!p0 $0x108  }
0x21: {  	s3 =	sadd.s32 s3, s9;
	s6 =	sadd.s32 @!p0 $0x88, s6;
	s7 =	simm.s32 @p2 $0x1082  }
0x22: {  	[simem:s7], [sflag:s8] =	dma.local @!p0 [hbm:s6], $0xF7A  }
0x23: {  	s9 =	sor.u32 $0xD0000000, s2;
	s6 =	simm.s32 $0x108;
	_ =	swait.ge @!p0 [sflag:s8], $0x0  }
0x24: {  	s3 =	sadd.s32 $0x88, s3;
	s6 =	simm.s32 @!p1 $0x1082;
	[sflag:s4] =	ssyncset.s32 $0xFFFFF086  }
0x25: {  	[simem:s6], [sflag:s4] =	dma.local [hbm:s3], $0xF7A  }
0x26: {  	[smem:$0x3F9B] =	sst s1;
	(tag) =	ssettag s2;
	_ =	strace s9  }
0x27: {  	s1 =	sld [smem:$0x3FAB]  }
0x28: {  	s2 =	sld [smem:$0x3FAC]  }
0x29: {  	s4 =	sld [smem:$0x3FAE]  }
0x2a: {  	p0 =	seq.s32 s5, $0x0;
	s5 =	sld [smem:$0x3FAF]  }
0x2b: {  	s6 =	sld [smem:$0x3FB0]  }
0x2c: {  	s7 =	sld [smem:$0x3FB1]  }
0x2d: {  	s3 =	simm.s32 $0x108;
	s8 =	sld [smem:$0x3FB2]  }
0x2e: {  	s3 =	simm.s32 @!p0 $0x1082;
	s9 =	sld [smem:$0x3FB3]  }
0x2f: {  	lr =	sadd.s32 s0, s3;
	s0 =	sld [smem:$0x3FAA]  }
0x30: {  	s3 =	sld [smem:$0x3FAD]  }
0x31: {  	[smem:$0x3FB6] =	sst s10  }
0x32: {  	s10 =	sld [smem:$0x3FB4];
	_ =	sdelay $0x3  }
0x33: {  	p0 =	seq.s32 s10, $0x1;
	s10 =	sld [smem:$0x3FB6];
	_ =	sdelay $0x3  }
0x34: {  	[smem:$0x3FB6] =	sst s10  }
0x35: {  	s10 =	sld [smem:$0x3FB5];
	_ =	sdelay $0x3  }
0x36: {  	p1 =	seq.s32 s10, $0x1;
	s10 =	sld [smem:$0x3FB6];
	_ =	sdelay $0x3  }
0x37: {  	[smem:$0x3FB6] =	sst s10  }
0x38: {  	s10 =	sld [smem:$0x3FB7]  }
0x39: {  	_ = 	snop;
	(pc) =	sbr.ind lr, $3  }
0x3a: {  	_ = 	snop  }
0x3b: {  	_ = 	snop  }
0x3c: {  	p2 =	seq.s32 s10, $0x1;
	s10 =	sld [smem:$0x3FB6]  }
0x3d: {  	_ =	shalt  }
0x3e: {  	_ =	shalt  }
0x3f: {  	_ =	shalt  }
0x40: {  	_ =	shalt  }
0x41: {  	_ =	shalt  }
0x42: {  	_ =	shalt  }
0x43: {  	_ =	shalt  }
0x44: {  	_ =	shalt  }
0x45: {  	_ =	shalt  }
0x46: {  	_ =	shalt  }
0x47: {  	_ =	shalt  }
0x48: {  	_ =	shalt  }
0x49: {  	_ =	shalt  }
0x4a: {  	_ =	shalt  }
0x4b: {  	_ =	shalt  }
0x4c: {  	_ =	shalt  }
0x4d: {  	_ =	shalt  }
0x4e: {  	_ =	shalt  }
0x4f: {  	_ =	shalt  }
0x50: {  	_ =	shalt  }
0x51: {  	_ =	shalt  }
0x52: {  	_ =	shalt  }
0x53: {  	_ =	shalt  }
0x54: {  	_ =	shalt  }
0x55: {  	_ =	shalt  }
0x56: {  	_ =	shalt  }
0x57: {  	_ =	shalt  }
0x58: {  	_ =	shalt  }
0x59: {  	_ =	shalt  }
0x5a: {  	_ =	shalt  }
0x5b: {  	_ =	shalt  }
0x5c: {  	_ =	shalt  }
0x5d: {  	_ =	shalt  }
0x5e: {  	_ =	shalt  }
0x5f: {  	_ =	shalt  }
0x60: {  	_ =	shalt  }
0x61: {  	_ =	shalt  }
0x62: {  	_ =	shalt  }
0x63: {  	_ =	shalt  }
0x64: {  	_ =	shalt  }
0x65: {  	_ =	shalt  }
0x66: {  	_ =	shalt  }
0x67: {  	_ =	shalt  }
0x68: {  	_ =	shalt  }
0x69: {  	_ =	shalt  }
0x6a: {  	_ =	shalt  }
0x6b: {  	_ =	shalt  }
0x6c: {  	_ =	shalt  }
0x6d: {  	_ =	shalt  }
0x6e: {  	_ =	shalt  }
0x6f: {  	_ =	shalt  }
0x70: {  	_ =	shalt  }
0x71: {  	_ =	shalt  }
0x72: {  	_ =	shalt  }
0x73: {  	_ =	shalt  }
0x74: {  	_ =	shalt  }
0x75: {  	_ =	shalt  }
0x76: {  	_ =	shalt  }
0x77: {  	_ =	shalt  }
0x78: {  	_ =	shalt  }
0x79: {  	_ =	shalt  }
0x7a: {  	_ =	shalt  }
0x7b: {  	_ =	shalt  }
0x7c: {  	_ =	shalt  }
0x7d: {  	_ =	shalt  }
0x7e: {  	_ =	shalt  }
0x7f: {  	_ =	shalt  }
0x80: {  	_ =	shalt  }
0x81: {  	_ =	shalt  }
0x82: {  	_ =	shalt  }
0x83: {  	_ =	shalt  }
0x84: {  	_ =	shalt  }
0x85: {  	_ =	shalt  }
0x86: {  	_ =	shalt  }
0x87: {  	_ =	shalt  }
.Lfunc_end0:
.L_simem_size_0:
called_computation_lowered:
.L_overlay_start_0:
0x88: {  	s2 =	sld [smem:$0x3FD9]  }
0x89: {  	s3 =	sld [smem:$0x3FFE];
	_ =	sdelay $0x1  }
0x8a: {  	s1 =	srdreg.scid  }
0x8b: {  	s0 =	sand.u32 $0x1, s1  }
0x8c: {  	s14 =	sshll.u32 s0, $0xA;
	s2 =	sadd.s32 s3, s2  }
0x8d: {  	s2 =	sadd.s32 s2, s14  }
0x8e: {  	[smem:$0x3FC2] =	sst s2  }
0x8f: {  	_ = 	snop  }
0x90: {  	s2 =	sld [smem:$0x3FD0];
	_ =	sdelay $0x2  }
0x91: {  	s4 =	simm.s32 $0xA;
	s5 =	simm.s32 $0x10;
	s15 =	sld [smem:$0x3FC6]  }
0x92: {  	[smem:s5], [sflag:s4] =	dma.local [hbm:s2], $0x1  }
0x93: {  	_ =	swait.eq [sflag:s4], $0x1  }
0x94: {  	[sflag:s4] =	ssyncset.done $0x0  }
0x95: {  	[sflag:s4] =	ssyncadd.s32 $0xFFFFFFFF  }
0x96: {  	s16 =	sld [smem:$0x14];
	(tm) =	ssettm $0x1  }
0x97: {  	s17 =	sld [smem:$0x3FFB];
	_ =	sdelay $0x3  }
0x98: {  	_ =	strace s17  }
0x99: {  	s4 =	sld [smem:$0x3FFC];
	_ =	sdelay $0x3  }
0x9a: {  	_ =	strace s4  }
0x9b: {  	s4 =	sld [smem:$0x3FFD];
	_ =	sdelay $0x3  }
0x9c: {  	_ =	strace s4  }
0x9d: {  	_ =	strace $0x8FFFFFFF  }
0x9e: {  	s18 =	sld [smem:$0x3FDB];
	_ =	sdelay $0x1  }
0x9f: {  	s19 =	simm.s32 $_scs_section_size  }
0xa0: {  	s6 =	simm.s32 $_size__tile_overlayer_lowered;
	s7 =	simm.s32 $_tile_overlayer_lowered  }
0xa1: {  	s22 =	simm.s32 $0x1BFF;
	s21 =	sshll.u32 s7, $0x1;
	s4 =	sadd.s32 s19, s18  }
0xa2: {  	s8 =	simm.s32 $0x0;
	s20 =	sshll.u32 s6, $0x1;
	s6 =	sadd.s32 s21, s4  }
0xa3: {  	[timem:s8], [sflag:s22] =	dma.local [hbm:s6], s20  }
0xa4: {  	_ =	swait.ge [sflag:s22], s20  }
0xa5: {  	s5 =	ssub.s32 $0x0, s20;
	[sflag:s22] =	ssyncset.done $0x0  }
0xa6: {  	[sflag:s22] =	ssyncadd.s32 s5;
	_ =	sdelay $0x1  }
0xa7: {  	s23 =	simm.s32 $0x1B8B  }
0xa8: {  	_ =	swait.ge [sflag:s23], $0x1  }
0xa9: {  	[sflag:s23] =	ssyncset.done $0x0  }
0xaa: {  	s25 =	simm.s32 $0x1B8E;
	s24 =	sld [smem:$0x3FFE];
	[sflag:s23] =	ssyncadd.s32 $0xFFFFFFFF  }
0xab: {  	s26 =	simm.s32 $execute0_lowered;
	[smem:$0x3FD2] =	sst s25  }
0xac: {  	s6 =	sshll.u32 s26, $0x1;
	_ =	strace $0x80000046;
	[dreg:$0x1] =	wrdreg $0xFFFFFFFF  }
0xad: {  	s28 =	simm.s32 $_size_execute0_lowered;
	s4 =	sadd.s32 s4, s6;
	[dreg:$0x0] =	wrdreg $0x0  }
0xae: {  	s6 =	sshll.u32 s28, $0x1;
	[dreg:$0x2] =	wrdreg s4  }
0xaf: {  	[dreg:$0x3] =	wrdreg s6  }
0xb0: {  	[dreg:$0x4] =	wrdreg $0xC0  }
0xb1: {  	_ =	task [dreg:s8], $0x5FFFF  }
0xb2: {  	[dreg:$0x1] =	wrdreg $0xFFFFFFFF  }
0xb3: {  	[dreg:$0x0] =	wrdreg $0x60  }
0xb4: {  	[dreg:$0x2] =	wrdreg s15  }
0xb5: {  	[dreg:$0x3] =	wrdreg s24  }
0xb6: {  	[dreg:$0x4] =	wrdreg s16  }
0xb7: {  	[dreg:$0x5] =	wrdreg $0x9  }
0xb8: {  	_ =	task.clear_ibuf [dreg:s8], $0x6FFFF;
	_ =	strace $0x90000046  }
0xb9: {  	s29 =	simm.s32 $0x9;
	_ =	strace $0x80000048  }
0xba: {  	_ =	swait.ge [sflag:s29], $0x1  }
0xbb: {  	[sflag:s29] =	ssyncadd.s32 $0xFFFFFFFF  }
0xbc: {  	_ =	strace $0x90000048  }
0xbd: {  	_ =	sfence  }
0xbe: {  	s30 =	sld [smem:$0x0];
	_ =	sdelay $0x2  }
0xbf: {  	s31 =	sshll.u32 s1, $0xD;
	s1 =	sshrl.u32 s1, $0x2  }
0xc0: {  	s3 =	sand.u32 $0x4000, s31;
	s1 =	sadd.s32 s1, s30  }
0xc1: {  	s0 =	sor.u32 s3, s0;
	s1 =	sshll.u32 s1, $0x11  }
0xc2: {  	s0 =	sor.u32 s1, s0  }
0xc3: {  	s0 =	sadd.s32 $0x8F2B, s0  }
0xc4: {  	[sflag:s0] =	ssyncadd.remote.s32 $0x1  }
0xc5: {  	_ =	sfence.sel $0xFFFF  }
0xc6: {  	[dreg:$0x0] =	wrdreg $0xFFFFFFFF;
	(pc) =	sbr.abs _section_cstart, $3  }
0xc7: {  	[dreg:$0x1] =	wrdreg $0xFFFFFFFF  }
0xc8: {  	_ =	task.clear_ibuf [dreg:s8], $0x2FFFF;
	_ =	strace $0x9FFFFFFF  }
0xc9: {  	(tm) =	ssettm $0x7FFFFFFF  }
tec
execute0_lowered:
.L_overlay_start_1:
0x0: {  	(tag) =	ssettag $0x1  }
0x1: {  	s1 =	rddreg [dreg:$0x0]  }
0x2: {  	s4 =	rddreg [dreg:$0x1]  }
0x3: {  	s6 =	rddreg [dreg:$0x2]  }
0x4: {  	s0 =	rddreg [dreg:$0x3];
	s5 =	srdreg.scid  }
0x5: {  	s3 =	simm.s32 $0x0;
	s2 =	stileid.u32;
	s9 =	simm.s32 $0x80  }
0x6: {  	s10 =	simm.s32 $0x880;
	s11 =	simm.s32 $0xC80;
	s12 =	simm.s32 $0x1480  }
0x7: {  	s13 =	simm.s32 $0x1880;
	s14 =	simm.s32 $0x2080;
	s15 =	simm.s32 $0x2480  }
0x8: {  	s16 =	simm.s32 $0x2C80;
	s17 =	simm.s32 $0x3080;
	s18 =	simm.s32 $0x3880  }
0x9: {  	s19 =	simm.s32 $0x3C80;
	s20 =	simm.s32 $0x4480;
	s21 =	simm.s32 $0x4880  }
0xa: {  	s22 =	simm.s32 $0x5080;
	s23 =	simm.s32 $0x5480;
	s24 =	simm.s32 $0x5C80  }
0xb: {  	s25 =	simm.s32 $0x1;
	s26 =	simm.s32 $0x2;
	s5 =	sand.u32 $0x1, s5  }
0xc: {  	[smem:$0x7FF] =	sst s3;
	s7 =	sshll.u32 s2, $0x4;
	s8 =	sshll.u32 s5, $0x3  }
0xd: {  	_ =	strace $0x80000047;
	s5 =	ssub.s32 $0x2, s5;
	s7 =	sor.u32 s8, s7  }
0xe: {  	v2 =	vlaneseq.u32;
	s31 =	sshrl.u32 s5, $0x1;
	s4 =	sadd.s32 s7, s4;
	s7 =	smul.u32 $0x180, s7  }
0xf: {  	vm0 =	vmmov $0xffff;
	vm1 =	vmmov $0xff;
	v1 =	vshrl.u32 v2, $0x3;
	s8 =	ssub.s32 s5, s31;
	s5 =	sadd.s32 $0x100, s1;
	s4 =	sadd.s32 $0x2200, s4  }
0x10: {  	v0 =	vand.u32 $0x7, v2;
	v2 =	vor.u32 $0x8, v2;
	v1 =	vmul.u32 $0x8, v1;
	s6 =	sadd.s32 s6, s7;
	s7 =	smax.u32 s8, $0x1;
	s8 =	simm.s32 $0x3  }
.LBB2_1:
0x11: {  	[tilespmem:s3], [sflag:$0x3] =	stream.linear.gather [hbm4b:s4+s3], $0x40, $0x38;
	[tilespmem:$0x6080] =	vst v63  }
0x12: {  	_ =	swait.ge [sflag:s8], $0x40  }
0x13: {  	[sflag:s8] =	ssyncset.done $0x0  }
0x14: {  	[sflag:s8] =	ssyncadd.s32 $0xFFFFFFC0  }
0x15: {  	v3 =	vld [tilespmem:$0x0];
	_ =	sdelay $0x4  }
0x16: {  	v4 =	vshrl.u32 v3, $0x3  }
0x17: {  	v4 =	vmul.u32 $0x18, v4  }
0x18: {  	v3 =	vand.u32 $0x7, v3  }
0x19: {  	v3 =	vor.u32 v3, v4  }
0x1a: {  	v4 =	vperm.xlane v3, v0;
	_ =	sdelay $0x1  }
0x1b: {  	v4 =	vadd.s32 v1, v4;
	_ =	sdelay $0x1  }
0x1c: {  	v3 =	vperm.xlane v3, v2;
	_ =	sdelay $0x1  }
0x1d: {  	v3 =	vadd.s32 v1, v3  }
0x1e: {  	[tilespmem:s9], [sflag:$0x1] =	stream.indirect_vreg.gather [hbm4b:s1+s3], $0x80, v4, vm0, $0xb8;
	[tilespmem:$0x6080] =	vst v63  }
0x1f: {  	_ = 	snop  }
0x20: {  	[tilespmem:s10], [sflag:$0x1] =	stream.indirect_vreg.gather [hbm4b:s5+s3], $0x80, v4, vm1, $0xb8;
	[tilespmem:$0x6080] =	vst v63  }
0x21: {  	_ = 	snop  }
0x22: {  	[tilespmem:s11], [sflag:$0x1] =	stream.indirect_vreg.gather [hbm4b:s1+s3], $0x80, v3, vm0, $0xb8;
	[tilespmem:$0x6080] =	vst v63  }
0x23: {  	_ = 	snop  }
0x24: {  	[tilespmem:s12], [sflag:$0x1] =	stream.indirect_vreg.gather [hbm4b:s5+s3], $0x80, v3, vm1, $0xb8;
	[tilespmem:$0x6080] =	vst v63  }
0x25: {  	v3 =	vld [tilespmem:$0x10];
	_ =	sdelay $0x4  }
0x26: {  	v61 =	vshrl.u32 v3, $0x3  }
0x27: {  	v4 =	vmul.u32 $0x18, v61  }
0x28: {  	v3 =	vand.u32 $0x7, v3  }
0x29: {  	v3 =	vor.u32 v3, v4  }
0x2a: {  	v4 =	vperm.xlane v3, v0;
	_ =	sdelay $0x1  }
0x2b: {  	v4 =	vadd.s32 v1, v4;
	_ =	sdelay $0x1  }
0x2c: {  	v3 =	vperm.xlane v3, v2;
	_ =	sdelay $0x1  }
0x2d: {  	v3 =	vadd.s32 v1, v3  }
0x2e: {  	[tilespmem:s13], [sflag:$0x1] =	stream.indirect_vreg.gather [hbm4b:s1+s3], $0x80, v4, vm0, $0xb8;
	[tilespmem:$0x6080] =	vst v63  }
0x2f: {  	_ = 	snop  }
0x30: {  	[tilespmem:s14], [sflag:$0x1] =	stream.indirect_vreg.gather [hbm4b:s5+s3], $0x80, v4, vm1, $0xb8;
	[tilespmem:$0x6080] =	vst v63  }
0x31: {  	_ = 	snop  }
0x32: {  	[tilespmem:s15], [sflag:$0x1] =	stream.indirect_vreg.gather [hbm4b:s1+s3], $0x80, v3, vm0, $0xb8;
	[tilespmem:$0x6080] =	vst v63  }
0x33: {  	_ = 	snop  }
0x34: {  	[tilespmem:s16], [sflag:$0x1] =	stream.indirect_vreg.gather [hbm4b:s5+s3], $0x80, v3, vm1, $0xb8;
	[tilespmem:$0x6080] =	vst v63  }
0x35: {  	v3 =	vld [tilespmem:$0x20];
	_ =	sdelay $0x4  }
0x36: {  	v62 =	vshrl.u32 v3, $0x3  }
0x37: {  	v4 =	vmul.u32 $0x18, v62  }
0x38: {  	v3 =	vand.u32 $0x7, v3  }
0x39: {  	v3 =	vor.u32 v3, v4  }
0x3a: {  	v4 =	vperm.xlane v3, v0;
	_ =	sdelay $0x1  }
0x3b: {  	v4 =	vadd.s32 v1, v4;
	_ =	sdelay $0x1  }
0x3c: {  	v3 =	vperm.xlane v3, v2;
	_ =	sdelay $0x1  }
0x3d: {  	v3 =	vadd.s32 v1, v3  }
0x3e: {  	[tilespmem:s17], [sflag:$0x1] =	stream.indirect_vreg.gather [hbm4b:s1+s3], $0x80, v4, vm0, $0xb8;
	[tilespmem:$0x6080] =	vst v63  }
0x3f: {  	_ = 	snop  }
0x40: {  	[tilespmem:s18], [sflag:$0x1] =	stream.indirect_vreg.gather [hbm4b:s5+s3], $0x80, v4, vm1, $0xb8;
	[tilespmem:$0x6080] =	vst v63  }
0x41: {  	_ = 	snop  }
0x42: {  	[tilespmem:s19], [sflag:$0x1] =	stream.indirect_vreg.gather [hbm4b:s1+s3], $0x80, v3, vm0, $0xb8;
	[tilespmem:$0x6080] =	vst v63  }
0x43: {  	_ = 	snop  }
0x44: {  	[tilespmem:s20], [sflag:$0x1] =	stream.indirect_vreg.gather [hbm4b:s5+s3], $0x80, v3, vm1, $0xb8;
	[tilespmem:$0x6080] =	vst v63  }
0x45: {  	v3 =	vld [tilespmem:$0x30];
	_ =	sdelay $0x4  }
0x46: {  	v63 =	vshrl.u32 v3, $0x3  }
0x47: {  	v4 =	vmul.u32 $0x18, v63  }
0x48: {  	v3 =	vand.u32 $0x7, v3  }
0x49: {  	v3 =	vor.u32 v3, v4  }
0x4a: {  	v4 =	vperm.xlane v3, v0;
	_ =	sdelay $0x1  }
0x4b: {  	v4 =	vadd.s32 v1, v4;
	_ =	sdelay $0x1  }
0x4c: {  	v3 =	vperm.xlane v3, v2;
	_ =	sdelay $0x1  }
0x4d: {  	v3 =	vadd.s32 v1, v3  }
0x4e: {  	[tilespmem:s21], [sflag:$0x1] =	stream.indirect_vreg.gather [hbm4b:s1+s3], $0x80, v4, vm0, $0xb8;
	[tilespmem:$0x6080] =	vst v63  }
0x4f: {  	_ = 	snop  }
0x50: {  	[tilespmem:s22], [sflag:$0x1] =	stream.indirect_vreg.gather [hbm4b:s5+s3], $0x80, v4, vm1, $0xb8;
	[tilespmem:$0x6080] =	vst v63  }
0x51: {  	_ = 	snop  }
0x52: {  	[tilespmem:s23], [sflag:$0x1] =	stream.indirect_vreg.gather [hbm4b:s1+s3], $0x80, v3, vm0, $0xb8;
	[tilespmem:$0x6080] =	vst v63  }
0x53: {  	_ = 	snop  }
0x54: {  	[tilespmem:s24], [sflag:$0x1] =	stream.indirect_vreg.gather [hbm4b:s5+s3], $0x80, v3, vm1, $0xb8;
	[tilespmem:$0x6080] =	vst v63  }
0x55: {  	_ =	swait.ge [sflag:s25], $0x6000  }
0x56: {  	p0 =	sne.s32 s7, $0x1;
	[sflag:s25] =	ssyncset.done $0x0  }
.Ltmp0:
0x57: {  	[sflag:s25] =	ssyncadd.s32 $0xFFFFA000;
	(pc) =	sbr.rel @p0 .LBB2_1-.Ltmp0, $4  }
0x58: {  	[hbm4b:s6+s3] =	stream.linear.scatter [tilespmem:s9], [sflag:$0x2], $0x6000, $0x38;
	[tilespmem:$0x6080] =	vst v63  }
0x59: {  	_ =	swait.ge [sflag:s26], $0x6000  }
0x5a: {  	[sflag:s26] =	ssyncset.done $0x0  }
0x5b: {  	s7 =	sadd.s32 $0xFFFFFFFF, s7;
	[sflag:s26] =	ssyncadd.s32 $0xFFFFA000  }
0x5c: {  	_ =	sfence.sel $0x180000  }
0x5d: {  	[bflag:$0x0] =	sbarrier.arrive $0xFFFF  }
0x5e: {  	p0 =	sne.s32 s2, $0x0;
	_ =	strace $0x90000047  }
0x5f: {  	s0 =	sadd.s32 @!p0 $0x100000, s0;
	[bflag:$0x2] =	sbarrier.arrive $0xFFFF  }
0x60: {  	[sflag:s0] =	ssyncadd.tile.s32 @!p0 $0x1;
	_ =	shalt  }
.Lfunc_end2:
_tile_overlayer_lowered:
.L_overlay_start_2:
0x61: {  	(tag) =	ssettag $0x2  }
0x62: {  	s0 =	rddreg [dreg:$0x0];
	s2 =	stileid.u32  }
0x63: {  	s1 =	rddreg [dreg:$0x1];
	p0 =	sne.s32 s2, $0x0  }
0x64: {  	s3 =	rddreg [dreg:$0x2];
	[bflag:$0x3] =	sbarrier.arrive $0xFFFF;
	s2 =	simm.s32 @!p0 $0x1C03  }
0x65: {  	[timem:s3], [sflag:s2] =	dma.local @!p0 [hbm:s0], s1  }
0x66: {  	s0 =	simm.s32 @!p0 $0x3  }
0x67: {  	_ =	swait.ge @!p0 [sflag:s0], s1  }
0x68: {  	s1 =	ssub.s32 @!p0 $0x0, s1;
	[sflag:s0] =	ssyncset.done @!p0 $0x0  }
0x69: {  	[sflag:s0] =	ssyncadd.s32 @!p0 s1  }
0x6a: {  	[bflag:$0x3] =	sbarrier.arrive $0xFFFF  }
0x6b: {  	_ =	shalt  }

</sc_bundles>
